<compile_context>
chip_gen: v7x
topology: tpu7x:2x2x1
jax: 0.10.2.dev20260603
libtpu: 0.0.44.dev20260713+nightly
codegen_flags: <defaults>
</compile_context>

<pallas_src>
import functools

import jax
import jax.numpy as jnp
from jax import lax
from jax.experimental import pallas as pl
from jax.experimental.pallas import tpu as pltpu
from jax.experimental.pallas import tpu_sc as plsc

NUM_EMB = 1024
DIM = 64
BETA = 0.25

ROWS = 9216
BLOCK_M = 4608
GRID = ROWS // BLOCK_M

NUM_CORES = 2
NUM_SUBCORES = 16
NUM_WORKERS = NUM_CORES * NUM_SUBCORES
ROWS_PER_W = ROWS // NUM_WORKERS
CHUNK = 96
NCHUNK = ROWS_PER_W // CHUNK


def _tc_body(z_ref, e_ref, z2_ref, e2_ref, idx_ref, loss_ref, perp_ref,
             counts_ref):
    i = pl.program_id(0)
    zb = z_ref[...]
    ew = e_ref[...]

    zz = lax.dot_general(zb, ew, (((1,), (1,)), ((), ())),
                         preferred_element_type=jnp.float32)
    d = (z2_ref[...] + e2_ref[...]) - 2.0 * zz

    idx = jnp.argmin(d, axis=1).astype(jnp.int32)[:, None]
    idx_ref[...] = idx

    min_d = jnp.min(d, axis=1, keepdims=True)
    sse = jnp.sum(min_d, axis=0, keepdims=True)

    oh = idx == lax.broadcasted_iota(jnp.int32, (BLOCK_M, NUM_EMB), 1)
    cnt = lax.dot_general(jnp.ones((1, BLOCK_M), jnp.float32),
                          oh.astype(jnp.float32),
                          (((1,), (0,)), ((), ())),
                          preferred_element_type=jnp.float32)

    @pl.when(i == 0)
    def _init():
        counts_ref[...] = jnp.zeros_like(counts_ref)
        loss_ref[...] = jnp.zeros_like(loss_ref)
        perp_ref[...] = jnp.zeros_like(perp_ref)

    counts_ref[...] += cnt
    loss_ref[...] += sse

    @pl.when(i == GRID - 1)
    def _finish():
        p = counts_ref[...] / float(ROWS)
        ent = jnp.sum(p * jnp.log(p + 1e-10), axis=1, keepdims=True)
        perp_ref[...] = jnp.exp(-ent)
        loss_ref[...] = loss_ref[...] * ((1.0 + BETA) / float(ROWS * DIM))


@functools.cache
def _sc_gather_fn():
    @functools.partial(
        pl.kernel,
        mesh=plsc.VectorSubcoreMesh(core_axis_name="c", subcore_axis_name="s"),
        out_type=jax.ShapeDtypeStruct((ROWS, DIM), jnp.float32),
        scratch_types=[
            pltpu.VMEM((NCHUNK, CHUNK), jnp.int32),
            pltpu.VMEM((ROWS_PER_W, DIM), jnp.float32),
            pltpu.SemaphoreType.DMA,
        ],
        compiler_params=pltpu.CompilerParams(use_tc_tiling_on_sc=False),
    )
    def _sc_gather(idx_hbm, emb_hbm, out_hbm, idx_v, rows_v, sem):
        wid = lax.axis_index("s") * NUM_CORES + lax.axis_index("c")
        pltpu.sync_copy(idx_hbm.at[wid], idx_v)
        copies = []
        for c in range(NCHUNK):
            copies.append(
                pltpu.async_copy(
                    emb_hbm.at[idx_v.at[c]],
                    rows_v.at[pl.ds(c * CHUNK, CHUNK)],
                    sem,
                ))
        for cp in copies:
            cp.wait()
        pltpu.sync_copy(rows_v, out_hbm.at[pl.ds(wid * ROWS_PER_W, ROWS_PER_W)])

    return _sc_gather


def kernel(z, emb_w):
    zf = z.reshape(-1, DIM)
    z2 = jnp.sum(zf ** 2, axis=1, keepdims=True)
    e2 = jnp.sum(emb_w ** 2, axis=1).reshape(1, NUM_EMB)
    idx2, loss11, perp11 = pl.pallas_call(
        _tc_body,
        grid=(GRID,),
        in_specs=[
            pl.BlockSpec((BLOCK_M, DIM), lambda i: (i, 0)),
            pl.BlockSpec((NUM_EMB, DIM), lambda i: (0, 0)),
            pl.BlockSpec((BLOCK_M, 1), lambda i: (i, 0)),
            pl.BlockSpec((1, NUM_EMB), lambda i: (0, 0)),
        ],
        out_specs=[
            pl.BlockSpec((BLOCK_M, 1), lambda i: (i, 0)),
            pl.BlockSpec((1, 1), lambda i: (0, 0)),
            pl.BlockSpec((1, 1), lambda i: (0, 0)),
        ],
        out_shape=[
            jax.ShapeDtypeStruct((ROWS, 1), jnp.int32),
            jax.ShapeDtypeStruct((1, 1), jnp.float32),
            jax.ShapeDtypeStruct((1, 1), jnp.float32),
        ],
        scratch_shapes=[pltpu.VMEM((1, NUM_EMB), jnp.float32)],
        compiler_params=pltpu.CompilerParams(
            dimension_semantics=("arbitrary",)),
    )(zf, emb_w, z2, e2)

    idx3 = idx2.reshape(NUM_WORKERS, NCHUNK, CHUNK)
    z_q_st = _sc_gather_fn()(idx3, emb_w)
    return (z_q_st, idx2, loss11[0, 0], perp11[0, 0])

# --- scband reference (transcript-rebuilt; emitter-appended) ---
"""Pipeline reference for scband-emacodebook-67242007986787 (READ-ONLY COPY).

The authoritative reference and input builder live on the scoring server;
editing this copy changes nothing except your own understanding.
"""

import jax, jax.numpy as jnp
import numpy as np

NUM_EMBEDDINGS = 1024
EMBEDDING_DIM = 64
BETA = 0.25


def setup_inputs(seed: int = 0) -> dict:
    key = jax.random.key(seed)
    k1, k2 = jax.random.split(key)
    z = jax.random.normal(k1, (16, 576, EMBEDDING_DIM), dtype=jnp.float32)
    emb_w = jax.random.normal(k2, (NUM_EMBEDDINGS, EMBEDDING_DIM), dtype=jnp.float32)
    return {"z": z, "emb_w": emb_w}


def reference(z, emb_w):
    # Eval-mode forward of EMACodebook (no EMA buffer updates, no reset)
    K, D = emb_w.shape
    zf = z.reshape(-1, D)
    d = (jnp.sum(zf ** 2, axis=1, keepdims=True)
         + jnp.sum(emb_w ** 2, axis=1)
         - 2.0 * jnp.matmul(zf, emb_w.T))
    min_encoding_indices = jnp.argmin(d, axis=1)
    encodings = jax.nn.one_hot(min_encoding_indices, K, dtype=jnp.float32)
    z_q = jnp.take(emb_w, min_encoding_indices, axis=0)
    loss = (jnp.mean((jax.lax.stop_gradient(z_q) - zf) ** 2)
            + BETA * jnp.mean((z_q - jax.lax.stop_gradient(zf)) ** 2))
    avg_probs = jnp.mean(encodings, axis=0)
    perplexity = jnp.exp(-jnp.sum(avg_probs * jnp.log(avg_probs + 1e-10)))
    z_q_st = zf + jax.lax.stop_gradient(z_q - zf)
    return (z_q_st, min_encoding_indices[:, None], loss, perplexity)

if __name__ == "__main__":
    import jax
    _d = setup_inputs()
    print(jax.jit(kernel)(*tuple(_d.values())))

</pallas_src>

<mosaic_0001>
#map = affine_map<(d0, d1) -> (0, 0, 0)>
#map1 = affine_map<(d0, d1) -> (0, 0)>
module attributes {stable_mosaic.version = 14 : i64} {
  func.func @_sc_gather(%arg0: i32, %arg1: i32, %arg2: memref<32x3x96xi32, #tpu.memory_space<hbm>>, %arg3: memref<1024x64xf32, #tpu.memory_space<hbm>>, %arg4: memref<9216x64xf32, #tpu.memory_space<hbm>>, %arg5: memref<3x96xi32, #tpu.memory_space<vmem>>, %arg6: memref<288x64xf32, #tpu.memory_space<vmem>>, %arg7: memref<!tpu.dma_semaphore, #tpu.memory_space<semaphore_mem>>) attributes {dimension_semantics = [#tpu.dimension_semantics<core_parallel>, #tpu.dimension_semantics<subcore_parallel>], iteration_bounds = array<i64: 2, 16>, scalar_prefetch = 0 : i64, scratch_operands = 3 : i64, tpu.core_type = #tpu.core_type<sc_vector_subcore>, window_params = [{transform_indices = #map}, {transform_indices = #map1}, {transform_indices = #map1}]} {
    %mul3A = arith.constant 2 : i32
    %mul3A_0 = arith.muli %arg1, %mul3A : i32
    %add3A = arith.addi %mul3A_0, %arg0 : i32
    "tpu.region"() ({
      %run_scoped3A = tpu.sem_alloc : memref<!tpu.dma_semaphore, #tpu.memory_space<semaphore_mem>>
      %dma_start3A_61 = arith.constant 0 : i32
      %dma_start3A_62 = arith.constant 0 : i32
      %dma_start3A_63 = tpu.memref_slice %arg2[%add3A, %dma_start3A_61, %dma_start3A_62] : memref<32x3x96xi32, #tpu.memory_space<hbm>> -> memref<1x3x96xi32, #tpu.memory_space<hbm>>
      %dma_start3A_64 = tpu.memref_squeeze %dma_start3A_63 : memref<1x3x96xi32, #tpu.memory_space<hbm>> -> memref<3x96xi32, #tpu.memory_space<hbm>>
      %dma_start3A_65 = arith.constant 0 : i32
      %dma_start3A_66 = arith.constant 0 : i32
      %dma_start3A_67 = tpu.memref_slice %arg2[%add3A, %dma_start3A_65, %dma_start3A_66] : memref<32x3x96xi32, #tpu.memory_space<hbm>> -> memref<1x3x96xi32, #tpu.memory_space<hbm>>
      %dma_start3A_68 = tpu.memref_squeeze %dma_start3A_67 : memref<1x3x96xi32, #tpu.memory_space<hbm>> -> memref<3x96xi32, #tpu.memory_space<hbm>>
      tpu.enqueue_dma source(%dma_start3A_68 : memref<3x96xi32, #tpu.memory_space<hbm>>) target(%arg5 : memref<3x96xi32, #tpu.memory_space<vmem>>) target_semaphore(%run_scoped3A : memref<!tpu.dma_semaphore, #tpu.memory_space<semaphore_mem>>)
      %dma_wait3A_69 = arith.constant 0 : i32
      %dma_wait3A_70 = arith.constant 0 : i32
      %dma_wait3A_71 = tpu.memref_slice %arg2[%add3A, %dma_wait3A_69, %dma_wait3A_70] : memref<32x3x96xi32, #tpu.memory_space<hbm>> -> memref<1x3x96xi32, #tpu.memory_space<hbm>>
      %dma_wait3A_72 = tpu.memref_squeeze %dma_wait3A_71 : memref<1x3x96xi32, #tpu.memory_space<hbm>> -> memref<3x96xi32, #tpu.memory_space<hbm>>
      %dma_wait3A_73 = arith.constant 0 : i32
      %dma_wait3A_74 = arith.constant 0 : i32
      %dma_wait3A_75 = tpu.memref_slice %arg2[%add3A, %dma_wait3A_73, %dma_wait3A_74] : memref<32x3x96xi32, #tpu.memory_space<hbm>> -> memref<1x3x96xi32, #tpu.memory_space<hbm>>
      %dma_wait3A_76 = tpu.memref_squeeze %dma_wait3A_75 : memref<1x3x96xi32, #tpu.memory_space<hbm>> -> memref<3x96xi32, #tpu.memory_space<hbm>>
      tpu.wait_dma2 semaphore(%run_scoped3A : memref<!tpu.dma_semaphore, #tpu.memory_space<semaphore_mem>>) src(%dma_wait3A_76 : memref<3x96xi32, #tpu.memory_space<hbm>>) dst(%arg5 : memref<3x96xi32, #tpu.memory_space<vmem>>)
      tpu.yield
    }) : () -> ()
    %dma_start3A = arith.constant 0 : i32
    %dma_start3A_1 = arith.constant 0 : i32
    %dma_start3A_2 = arith.constant 0 : i32
    %dma_start3A_3 = tpu.memref_slice %arg6[%dma_start3A_1, %dma_start3A_2] : memref<288x64xf32, #tpu.memory_space<vmem>> -> memref<96x64xf32, #tpu.memory_space<vmem>>
    %dma_start3A_4 = arith.constant 0 : i32
    %dma_start3A_5 = tpu.memref_slice %arg5[%dma_start3A, %dma_start3A_4] : memref<3x96xi32, #tpu.memory_space<vmem>> -> memref<1x96xi32, #tpu.memory_space<vmem>>
    %dma_start3A_6 = tpu.memref_squeeze %dma_start3A_5 : memref<1x96xi32, #tpu.memory_space<vmem>> -> memref<96xi32, #tpu.memory_space<vmem>>
    %dma_start3A_7 = arith.constant 0 : i32
    %dma_start3A_8 = arith.constant 0 : i32
    %dma_start3A_9 = tpu.memref_slice %arg3[%dma_start3A_7, %dma_start3A_8] : memref<1024x64xf32, #tpu.memory_space<hbm>> -> memref<1024x64xf32, #tpu.memory_space<hbm>>
    tpu.enqueue_indirect_dma source(%dma_start3A_9 : memref<1024x64xf32, #tpu.memory_space<hbm>>) target(%dma_start3A_3 : memref<96x64xf32, #tpu.memory_space<vmem>>) offsets(%dma_start3A_6 : memref<96xi32, #tpu.memory_space<vmem>>) semaphore(%arg7 : memref<!tpu.dma_semaphore, #tpu.memory_space<semaphore_mem>>)
    %dma_start3A_10 = arith.constant 1 : i32
    %dma_start3A_11 = arith.constant 96 : i32
    %dma_start3A_12 = arith.constant 0 : i32
    %dma_start3A_13 = tpu.memref_slice %arg6[%dma_start3A_11, %dma_start3A_12] : memref<288x64xf32, #tpu.memory_space<vmem>> -> memref<96x64xf32, #tpu.memory_space<vmem>>
    %dma_start3A_14 = arith.constant 0 : i32
    %dma_start3A_15 = tpu.memref_slice %arg5[%dma_start3A_10, %dma_start3A_14] : memref<3x96xi32, #tpu.memory_space<vmem>> -> memref<1x96xi32, #tpu.memory_space<vmem>>
    %dma_start3A_16 = tpu.memref_squeeze %dma_start3A_15 : memref<1x96xi32, #tpu.memory_space<vmem>> -> memref<96xi32, #tpu.memory_space<vmem>>
    %dma_start3A_17 = arith.constant 0 : i32
    %dma_start3A_18 = arith.constant 0 : i32
    %dma_start3A_19 = tpu.memref_slice %arg3[%dma_start3A_17, %dma_start3A_18] : memref<1024x64xf32, #tpu.memory_space<hbm>> -> memref<1024x64xf32, #tpu.memory_space<hbm>>
    tpu.enqueue_indirect_dma source(%dma_start3A_19 : memref<1024x64xf32, #tpu.memory_space<hbm>>) target(%dma_start3A_13 : memref<96x64xf32, #tpu.memory_space<vmem>>) offsets(%dma_start3A_16 : memref<96xi32, #tpu.memory_space<vmem>>) semaphore(%arg7 : memref<!tpu.dma_semaphore, #tpu.memory_space<semaphore_mem>>)
    %dma_start3A_20 = arith.constant 2 : i32
    %dma_start3A_21 = arith.constant 192 : i32
    %dma_start3A_22 = arith.constant 0 : i32
    %dma_start3A_23 = tpu.memref_slice %arg6[%dma_start3A_21, %dma_start3A_22] : memref<288x64xf32, #tpu.memory_space<vmem>> -> memref<96x64xf32, #tpu.memory_space<vmem>>
    %dma_start3A_24 = arith.constant 0 : i32
    %dma_start3A_25 = tpu.memref_slice %arg5[%dma_start3A_20, %dma_start3A_24] : memref<3x96xi32, #tpu.memory_space<vmem>> -> memref<1x96xi32, #tpu.memory_space<vmem>>
    %dma_start3A_26 = tpu.memref_squeeze %dma_start3A_25 : memref<1x96xi32, #tpu.memory_space<vmem>> -> memref<96xi32, #tpu.memory_space<vmem>>
    %dma_start3A_27 = arith.constant 0 : i32
    %dma_start3A_28 = arith.constant 0 : i32
    %dma_start3A_29 = tpu.memref_slice %arg3[%dma_start3A_27, %dma_start3A_28] : memref<1024x64xf32, #tpu.memory_space<hbm>> -> memref<1024x64xf32, #tpu.memory_space<hbm>>
    tpu.enqueue_indirect_dma source(%dma_start3A_29 : memref<1024x64xf32, #tpu.memory_space<hbm>>) target(%dma_start3A_23 : memref<96x64xf32, #tpu.memory_space<vmem>>) offsets(%dma_start3A_26 : memref<96xi32, #tpu.memory_space<vmem>>) semaphore(%arg7 : memref<!tpu.dma_semaphore, #tpu.memory_space<semaphore_mem>>)
    %dma_wait3A = arith.constant 0 : i32
    %dma_wait3A_30 = arith.constant 0 : i32
    %dma_wait3A_31 = arith.constant 0 : i32
    %dma_wait3A_32 = tpu.memref_slice %arg6[%dma_wait3A_30, %dma_wait3A_31] : memref<288x64xf32, #tpu.memory_space<vmem>> -> memref<96x64xf32, #tpu.memory_space<vmem>>
    %dma_wait3A_33 = arith.constant 0 : i32
    %dma_wait3A_34 = tpu.memref_slice %arg5[%dma_wait3A, %dma_wait3A_33] : memref<3x96xi32, #tpu.memory_space<vmem>> -> memref<1x96xi32, #tpu.memory_space<vmem>>
    %dma_wait3A_35 = tpu.memref_squeeze %dma_wait3A_34 : memref<1x96xi32, #tpu.memory_space<vmem>> -> memref<96xi32, #tpu.memory_space<vmem>>
    %dma_wait3A_36 = arith.constant 0 : i32
    %dma_wait3A_37 = arith.constant 0 : i32
    %dma_wait3A_38 = tpu.memref_slice %arg3[%dma_wait3A_36, %dma_wait3A_37] : memref<1024x64xf32, #tpu.memory_space<hbm>> -> memref<1024x64xf32, #tpu.memory_space<hbm>>
    tpu.wait_indirect_dma semaphore(%arg7 : memref<!tpu.dma_semaphore, #tpu.memory_space<semaphore_mem>>) src(%dma_wait3A_38 : memref<1024x64xf32, #tpu.memory_space<hbm>>) dst(%dma_wait3A_32 : memref<96x64xf32, #tpu.memory_space<vmem>>)
    %dma_wait3A_39 = arith.constant 1 : i32
    %dma_wait3A_40 = arith.constant 96 : i32
    %dma_wait3A_41 = arith.constant 0 : i32
    %dma_wait3A_42 = tpu.memref_slice %arg6[%dma_wait3A_40, %dma_wait3A_41] : memref<288x64xf32, #tpu.memory_space<vmem>> -> memref<96x64xf32, #tpu.memory_space<vmem>>
    %dma_wait3A_43 = arith.constant 0 : i32
    %dma_wait3A_44 = tpu.memref_slice %arg5[%dma_wait3A_39, %dma_wait3A_43] : memref<3x96xi32, #tpu.memory_space<vmem>> -> memref<1x96xi32, #tpu.memory_space<vmem>>
    %dma_wait3A_45 = tpu.memref_squeeze %dma_wait3A_44 : memref<1x96xi32, #tpu.memory_space<vmem>> -> memref<96xi32, #tpu.memory_space<vmem>>
    %dma_wait3A_46 = arith.constant 0 : i32
    %dma_wait3A_47 = arith.constant 0 : i32
    %dma_wait3A_48 = tpu.memref_slice %arg3[%dma_wait3A_46, %dma_wait3A_47] : memref<1024x64xf32, #tpu.memory_space<hbm>> -> memref<1024x64xf32, #tpu.memory_space<hbm>>
    tpu.wait_indirect_dma semaphore(%arg7 : memref<!tpu.dma_semaphore, #tpu.memory_space<semaphore_mem>>) src(%dma_wait3A_48 : memref<1024x64xf32, #tpu.memory_space<hbm>>) dst(%dma_wait3A_42 : memref<96x64xf32, #tpu.memory_space<vmem>>)
    %dma_wait3A_49 = arith.constant 2 : i32
    %dma_wait3A_50 = arith.constant 192 : i32
    %dma_wait3A_51 = arith.constant 0 : i32
    %dma_wait3A_52 = tpu.memref_slice %arg6[%dma_wait3A_50, %dma_wait3A_51] : memref<288x64xf32, #tpu.memory_space<vmem>> -> memref<96x64xf32, #tpu.memory_space<vmem>>
    %dma_wait3A_53 = arith.constant 0 : i32
    %dma_wait3A_54 = tpu.memref_slice %arg5[%dma_wait3A_49, %dma_wait3A_53] : memref<3x96xi32, #tpu.memory_space<vmem>> -> memref<1x96xi32, #tpu.memory_space<vmem>>
    %dma_wait3A_55 = tpu.memref_squeeze %dma_wait3A_54 : memref<1x96xi32, #tpu.memory_space<vmem>> -> memref<96xi32, #tpu.memory_space<vmem>>
    %dma_wait3A_56 = arith.constant 0 : i32
    %dma_wait3A_57 = arith.constant 0 : i32
    %dma_wait3A_58 = tpu.memref_slice %arg3[%dma_wait3A_56, %dma_wait3A_57] : memref<1024x64xf32, #tpu.memory_space<hbm>> -> memref<1024x64xf32, #tpu.memory_space<hbm>>
    tpu.wait_indirect_dma semaphore(%arg7 : memref<!tpu.dma_semaphore, #tpu.memory_space<semaphore_mem>>) src(%dma_wait3A_58 : memref<1024x64xf32, #tpu.memory_space<hbm>>) dst(%dma_wait3A_52 : memref<96x64xf32, #tpu.memory_space<vmem>>)
    %mul3A_59 = arith.constant 288 : i32
    %mul3A_60 = arith.muli %add3A, %mul3A_59 : i32
    "tpu.region"() ({
      %run_scoped3A = tpu.sem_alloc : memref<!tpu.dma_semaphore, #tpu.memory_space<semaphore_mem>>
      %dma_start3A_61 = arith.constant 0 : i32
      %dma_start3A_62 = tpu.memref_slice %arg4[%mul3A_60, %dma_start3A_61] : memref<9216x64xf32, #tpu.memory_space<hbm>> -> memref<288x64xf32, #tpu.memory_space<hbm>>
      %dma_start3A_63 = arith.constant 0 : i32
      %dma_start3A_64 = tpu.memref_slice %arg4[%mul3A_60, %dma_start3A_63] : memref<9216x64xf32, #tpu.memory_space<hbm>> -> memref<288x64xf32, #tpu.memory_space<hbm>>
      tpu.enqueue_dma source(%arg6 : memref<288x64xf32, #tpu.memory_space<vmem>>) target(%dma_start3A_64 : memref<288x64xf32, #tpu.memory_space<hbm>>) target_semaphore(%run_scoped3A : memref<!tpu.dma_semaphore, #tpu.memory_space<semaphore_mem>>)
      %dma_wait3A_65 = arith.constant 0 : i32
      %dma_wait3A_66 = tpu.memref_slice %arg4[%mul3A_60, %dma_wait3A_65] : memref<9216x64xf32, #tpu.memory_space<hbm>> -> memref<288x64xf32, #tpu.memory_space<hbm>>
      %dma_wait3A_67 = arith.constant 0 : i32
      %dma_wait3A_68 = tpu.memref_slice %arg4[%mul3A_60, %dma_wait3A_67] : memref<9216x64xf32, #tpu.memory_space<hbm>> -> memref<288x64xf32, #tpu.memory_space<hbm>>
      tpu.wait_dma2 semaphore(%run_scoped3A : memref<!tpu.dma_semaphore, #tpu.memory_space<semaphore_mem>>) src(%arg6 : memref<288x64xf32, #tpu.memory_space<vmem>>) dst(%dma_wait3A_68 : memref<288x64xf32, #tpu.memory_space<hbm>>)
      tpu.yield
    }) : () -> ()
    return
  }
}

module attributes {stable_mosaic.version = 14 : i64} {
  func.func @_tc_body(%arg0: i32, %arg1: memref<4608x64xf32, #tpu.memory_space<vmem>>, %arg2: memref<1024x64xf32, #tpu.memory_space<vmem>>, %arg3: memref<4608x1xf32, #tpu.memory_space<vmem>>, %arg4: memref<1x1024xf32, #tpu.memory_space<vmem>>, %arg5: memref<4608x1xi32, #tpu.memory_space<vmem>>, %arg6: memref<1x1xf32, #tpu.memory_space<vmem>>, %arg7: memref<1x1xf32, #tpu.memory_space<vmem>>, %arg8: memref<1x1024xf32, #tpu.memory_space<vmem>>) attributes {dimension_semantics = [#tpu.dimension_semantics<arbitrary>], iteration_bounds = array<i64: 2>, scalar_prefetch = 0 : i64, scratch_operands = 1 : i64, tpu.core_type = #tpu.core_type<tc>, window_params = [{transform_indices = @transform_0, window_bounds = array<i64: 4608, 64>}, {pipeline_mode = #tpu.pipeline_mode<synchronous>, transform_indices = @transform_1, window_bounds = array<i64: 1024, 64>}, {transform_indices = @transform_2, window_bounds = array<i64: 4608, 1>}, {pipeline_mode = #tpu.pipeline_mode<synchronous>, transform_indices = @transform_3, window_bounds = array<i64: 1, 1024>}, {transform_indices = @transform_4, window_bounds = array<i64: 4608, 1>}, {pipeline_mode = #tpu.pipeline_mode<synchronous>, transform_indices = @transform_5, window_bounds = array<i64: 1, 1>}, {pipeline_mode = #tpu.pipeline_mode<synchronous>, transform_indices = @transform_6, window_bounds = array<i64: 1, 1>}]} {
    %get3A = arith.constant 0 : index
    %get3A_0 = arith.constant 0 : index
    %get3A_1 = vector.load %arg1[%get3A, %get3A_0] : memref<4608x64xf32, #tpu.memory_space<vmem>>, vector<4608x64xf32>
    %get3A_2 = arith.constant 0 : index
    %get3A_3 = arith.constant 0 : index
    %get3A_4 = vector.load %arg2[%get3A_2, %get3A_3] : memref<1024x64xf32, #tpu.memory_space<vmem>>, vector<1024x64xf32>
    %dot_general3A = arith.constant dense<0.000000e+00> : vector<4608x1024xf32>
    %dot_general3A_5 = tpu.matmul %get3A_1, %get3A_4, %dot_general3A {dimension_numbers = #tpu.dot_dimension_numbers<[1], [1], [0], [0], [0, 0, 1, 0], [], []>, transpose_lhs_hint = false} : vector<4608x64xf32>, vector<1024x64xf32>, vector<4608x1024xf32> -> vector<4608x1024xf32>
    %get3A_6 = arith.constant 0 : index
    %get3A_7 = arith.constant 0 : index
    %get3A_8 = vector.load %arg3[%get3A_6, %get3A_7] : memref<4608x1xf32, #tpu.memory_space<vmem>>, vector<4608x1xf32>
    %get3A_9 = arith.constant 0 : index
    %get3A_10 = arith.constant 0 : index
    %get3A_11 = vector.load %arg4[%get3A_9, %get3A_10] : memref<1x1024xf32, #tpu.memory_space<vmem>>, vector<1x1024xf32>
    %add3A = vector.broadcast %get3A_8 : vector<4608x1xf32> to vector<4608x1024xf32>
    %add3A_12 = vector.broadcast %get3A_11 : vector<1x1024xf32> to vector<4608x1024xf32>
    %add3A_13 = arith.addf %add3A, %add3A_12 : vector<4608x1024xf32>
    %mul3A = arith.constant 2.000000e+00 : f32
    %mul3A_14 = vector.broadcast %mul3A : f32 to vector<4608x1024xf32>
    %mul3A_15 = arith.mulf %mul3A_14, %dot_general3A_5 : vector<4608x1024xf32>
    %sub3A = arith.subf %add3A_13, %mul3A_15 : vector<4608x1024xf32>
    %argmin3A = tpu.reduce_index %sub3A {axis = 1 : i32, kind = #tpu.reduction_kind<arg_min>} : vector<4608x1024xf32> -> vector<4608xi32>
    %broadcast_in_dim3A = vector.shape_cast %argmin3A : vector<4608xi32> to vector<4608x1xi32>
    %swap3A = arith.constant 0 : index
    %swap3A_16 = arith.constant 0 : index
    %swap3A_17 = vector.load %arg5[%swap3A, %swap3A_16] : memref<4608x1xi32, #tpu.memory_space<vmem>>, vector<4608x1xi32>
    tpu.vector_store %arg5[%swap3A, %swap3A_16], %broadcast_in_dim3A {strides = array<i32>} : memref<4608x1xi32, #tpu.memory_space<vmem>>, vector<4608x1xi32>,
    %reduce_min3A = arith.constant dense<0x7F800000> : vector<4608xf32>
    %reduce_min3A_18 = vector.multi_reduction <minimumf>, %sub3A, %reduce_min3A [1] : vector<4608x1024xf32> to vector<4608xf32>
    %broadcast_in_dim3A_19 = vector.shape_cast %reduce_min3A_18 : vector<4608xf32> to vector<4608x1xf32>
    %reduce_sum3A = arith.constant dense<0.000000e+00> : vector<1xf32>
    %reduce_sum3A_20 = vector.multi_reduction <add>, %broadcast_in_dim3A_19, %reduce_sum3A [0] : vector<4608x1xf32> to vector<1xf32>
    %broadcast_in_dim3A_21 = vector.shape_cast %reduce_sum3A_20 : vector<1xf32> to vector<1x1xf32>
    %iota3A = tpu.iota {dimensions = array<i32: 1>} : vector<4608x1024xi32>
    %eq3A = vector.broadcast %broadcast_in_dim3A : vector<4608x1xi32> to vector<4608x1024xi32>
    %eq3A_22 = arith.cmpi eq, %eq3A, %iota3A : vector<4608x1024xi32>
    %broadcast_in_dim3A_23 = arith.constant 1.000000e+00 : f32
    %broadcast_in_dim3A_24 = vector.broadcast %broadcast_in_dim3A_23 : f32 to vector<1x4608xf32>
    %convert_element_type3A = arith.extui %eq3A_22 : vector<4608x1024xi1> to vector<4608x1024xi32>
    %convert_element_type3A_25 = arith.sitofp %convert_element_type3A : vector<4608x1024xi32> to vector<4608x1024xf32>
    %dot_general3A_26 = arith.constant dense<0.000000e+00> : vector<1x1024xf32>
    %dot_general3A_27 = tpu.matmul %broadcast_in_dim3A_24, %convert_element_type3A_25, %dot_general3A_26 {dimension_numbers = #tpu.dot_dimension_numbers<[1], [0], [0], [1], [0, 0, 1, 1], [], []>, transpose_lhs_hint = false} : vector<1x4608xf32>, vector<4608x1024xf32>, vector<1x1024xf32> -> vector<1x1024xf32>
    %eq3A_28 = arith.constant 0 : i32
    %eq3A_29 = arith.cmpi eq, %arg0, %eq3A_28 : i32
    %convert_element_type3A_30 = arith.extui %eq3A_29 : i1 to i32
    %cond3A = arith.constant 0 : i32
    %cond3A_31 = arith.cmpi ne, %convert_element_type3A_30, %cond3A : i32
    scf.if %cond3A_31 {
      %broadcast_in_dim3A_51 = arith.constant 0.000000e+00 : f32
      %broadcast_in_dim3A_52 = vector.broadcast %broadcast_in_dim3A_51 : f32 to vector<1x1024xf32>
      %swap3A_53 = arith.constant 0 : index
      %swap3A_54 = arith.constant 0 : index
      %swap3A_55 = vector.load %arg8[%swap3A_53, %swap3A_54] : memref<1x1024xf32, #tpu.memory_space<vmem>>, vector<1x1024xf32>
      tpu.vector_store %arg8[%swap3A_53, %swap3A_54], %broadcast_in_dim3A_52 {strides = array<i32>} : memref<1x1024xf32, #tpu.memory_space<vmem>>, vector<1x1024xf32>,
      %broadcast_in_dim3A_56 = arith.constant 0.000000e+00 : f32
      %broadcast_in_dim3A_57 = vector.broadcast %broadcast_in_dim3A_56 : f32 to vector<1x1xf32>
      %swap3A_58 = arith.constant 0 : index
      %swap3A_59 = arith.constant 0 : index
      %swap3A_60 = vector.load %arg6[%swap3A_58, %swap3A_59] : memref<1x1xf32, #tpu.memory_space<vmem>>, vector<1x1xf32>
      tpu.vector_store %arg6[%swap3A_58, %swap3A_59], %broadcast_in_dim3A_57 {strides = array<i32>} : memref<1x1xf32, #tpu.memory_space<vmem>>, vector<1x1xf32>,
      %broadcast_in_dim3A_61 = arith.constant 0.000000e+00 : f32
      %broadcast_in_dim3A_62 = vector.broadcast %broadcast_in_dim3A_61 : f32 to vector<1x1xf32>
      %swap3A_63 = arith.constant 0 : index
      %swap3A_64 = arith.constant 0 : index
      %swap3A_65 = vector.load %arg7[%swap3A_63, %swap3A_64] : memref<1x1xf32, #tpu.memory_space<vmem>>, vector<1x1xf32>
      tpu.vector_store %arg7[%swap3A_63, %swap3A_64], %broadcast_in_dim3A_62 {strides = array<i32>} : memref<1x1xf32, #tpu.memory_space<vmem>>, vector<1x1xf32>,
    } else {
    }
    %get3A_32 = arith.constant 0 : index
    %get3A_33 = arith.constant 0 : index
    %get3A_34 = vector.load %arg8[%get3A_32, %get3A_33] : memref<1x1024xf32, #tpu.memory_space<vmem>>, vector<1x1024xf32>
    %add3A_35 = arith.addf %get3A_34, %dot_general3A_27 : vector<1x1024xf32>
    %swap3A_36 = arith.constant 0 : index
    %swap3A_37 = arith.constant 0 : index
    %swap3A_38 = vector.load %arg8[%swap3A_36, %swap3A_37] : memref<1x1024xf32, #tpu.memory_space<vmem>>, vector<1x1024xf32>
    tpu.vector_store %arg8[%swap3A_36, %swap3A_37], %add3A_35 {strides = array<i32>} : memref<1x1024xf32, #tpu.memory_space<vmem>>, vector<1x1024xf32>,
    %get3A_39 = arith.constant 0 : index
    %get3A_40 = arith.constant 0 : index
    %get3A_41 = vector.load %arg6[%get3A_39, %get3A_40] : memref<1x1xf32, #tpu.memory_space<vmem>>, vector<1x1xf32>
    %add3A_42 = arith.addf %get3A_41, %broadcast_in_dim3A_21 : vector<1x1xf32>
    %swap3A_43 = arith.constant 0 : index
    %swap3A_44 = arith.constant 0 : index
    %swap3A_45 = vector.load %arg6[%swap3A_43, %swap3A_44] : memref<1x1xf32, #tpu.memory_space<vmem>>, vector<1x1xf32>
    tpu.vector_store %arg6[%swap3A_43, %swap3A_44], %add3A_42 {strides = array<i32>} : memref<1x1xf32, #tpu.memory_space<vmem>>, vector<1x1xf32>,
    %eq3A_46 = arith.constant 1 : i32
    %eq3A_47 = arith.cmpi eq, %arg0, %eq3A_46 : i32
    %convert_element_type3A_48 = arith.extui %eq3A_47 : i1 to i32
    %cond3A_49 = arith.constant 0 : i32
    %cond3A_50 = arith.cmpi ne, %convert_element_type3A_48, %cond3A_49 : i32
    scf.if %cond3A_50 {
      %get3A_51 = arith.constant 0 : index
      %get3A_52 = arith.constant 0 : index
      %get3A_53 = vector.load %arg8[%get3A_51, %get3A_52] : memref<1x1024xf32, #tpu.memory_space<vmem>>, vector<1x1024xf32>
      %div3A = arith.constant 9.216000e+03 : f32
      %div3A_54 = vector.broadcast %div3A : f32 to vector<1x1024xf32>
      %div3A_55 = arith.divf %get3A_53, %div3A_54 : vector<1x1024xf32>
      %add3A_56 = arith.constant 1.000000e-10 : f32
      %add3A_57 = vector.broadcast %add3A_56 : f32 to vector<1x1024xf32>
      %add3A_58 = arith.addf %div3A_55, %add3A_57 : vector<1x1024xf32>
      %log3A = math.log %add3A_58 : vector<1x1024xf32>
      %mul3A_59 = arith.mulf %div3A_55, %log3A : vector<1x1024xf32>
      %reduce_sum3A_60 = arith.constant dense<0.000000e+00> : vector<1xf32>
      %reduce_sum3A_61 = vector.multi_reduction <add>, %mul3A_59, %reduce_sum3A_60 [1] : vector<1x1024xf32> to vector<1xf32>
      %broadcast_in_dim3A_62 = vector.shape_cast %reduce_sum3A_61 : vector<1xf32> to vector<1x1xf32>
      %neg3A = arith.constant 0.000000e+00 : f32
      %neg3A_63 = vector.broadcast %neg3A : f32 to vector<1x1xf32>
      %neg3A_64 = arith.subf %neg3A_63, %broadcast_in_dim3A_62 : vector<1x1xf32>
      %exp3A = math.exp %neg3A_64 : vector<1x1xf32>
      %swap3A_65 = arith.constant 0 : index
      %swap3A_66 = arith.constant 0 : index
      %swap3A_67 = vector.load %arg7[%swap3A_65, %swap3A_66] : memref<1x1xf32, #tpu.memory_space<vmem>>, vector<1x1xf32>
      tpu.vector_store %arg7[%swap3A_65, %swap3A_66], %exp3A {strides = array<i32>} : memref<1x1xf32, #tpu.memory_space<vmem>>, vector<1x1xf32>,
      %get3A_68 = arith.constant 0 : index
      %get3A_69 = arith.constant 0 : index
      %get3A_70 = vector.load %arg6[%get3A_68, %get3A_69] : memref<1x1xf32, #tpu.memory_space<vmem>>, vector<1x1xf32>
      %mul3A_71 = arith.constant 2.11927636E-6 : f32
      %mul3A_72 = vector.broadcast %mul3A_71 : f32 to vector<1x1xf32>
      %mul3A_73 = arith.mulf %get3A_70, %mul3A_72 : vector<1x1xf32>
      %swap3A_74 = arith.constant 0 : index
      %swap3A_75 = arith.constant 0 : index
      %swap3A_76 = vector.load %arg6[%swap3A_74, %swap3A_75] : memref<1x1xf32, #tpu.memory_space<vmem>>, vector<1x1xf32>
      tpu.vector_store %arg6[%swap3A_74, %swap3A_75], %mul3A_73 {strides = array<i32>} : memref<1x1xf32, #tpu.memory_space<vmem>>, vector<1x1xf32>,
    } else {
    }
    return
  }
  func.func @transform_0(%arg0: i32) -> (i32, i32) {
    %c0_i32 = arith.constant 0 : i32
    %c0_i32_0 = arith.constant 0 : i32
    return %arg0, %c0_i32 : i32, i32
  }
  func.func @transform_1(%arg0: i32) -> (i32, i32) {
    %c0_i32 = arith.constant 0 : i32
    %c0_i32_0 = arith.constant 0 : i32
    %c0_i32_1 = arith.constant 0 : i32
    return %c0_i32, %c0_i32_0 : i32, i32
  }
  func.func @transform_2(%arg0: i32) -> (i32, i32) {
    %c0_i32 = arith.constant 0 : i32
    %c0_i32_0 = arith.constant 0 : i32
    return %arg0, %c0_i32 : i32, i32
  }
  func.func @transform_3(%arg0: i32) -> (i32, i32) {
    %c0_i32 = arith.constant 0 : i32
    %c0_i32_0 = arith.constant 0 : i32
    %c0_i32_1 = arith.constant 0 : i32
    return %c0_i32, %c0_i32_0 : i32, i32
  }
  func.func @transform_4(%arg0: i32) -> (i32, i32) {
    %c0_i32 = arith.constant 0 : i32
    %c0_i32_0 = arith.constant 0 : i32
    return %arg0, %c0_i32 : i32, i32
  }
  func.func @transform_5(%arg0: i32) -> (i32, i32) {
    %c0_i32 = arith.constant 0 : i32
    %c0_i32_0 = arith.constant 0 : i32
    %c0_i32_1 = arith.constant 0 : i32
    return %c0_i32, %c0_i32_0 : i32, i32
  }
  func.func @transform_6(%arg0: i32) -> (i32, i32) {
    %c0_i32 = arith.constant 0 : i32
    %c0_i32_0 = arith.constant 0 : i32
    %c0_i32_1 = arith.constant 0 : i32
    return %c0_i32, %c0_i32_0 : i32, i32
  }
}

</mosaic_0001>

<sc_bundles>
// kernel: kernel.4.cloned.1.call-start
scs
__scs_entry_jumppad:
0x0: {  	(pc) =	sbr.rel $0x88, $3  }
0x1: {  	(tag) =	ssettag $0x0;
	lr =	simm.s32 $0x1  }
0x2: {  	[smem:$0x3F9F] =	sst lr;
	_ =	strace $0xD0000000  }
0x3: {  	_ = 	snop  }
0x4: {  	_ = 	snop  }
0x5: {  	_ = 	snop  }
0x6: {  	_ = 	snop  }
0x7: {  	_ = 	snop  }
__scs_overlays_trampoline_lowered:
0x8: {  	[smem:$0x3FAE] =	sst s0  }
0x9: {  	[smem:$0x3FAF] =	sst s1  }
0xa: {  	[smem:$0x3FB0] =	sst s2  }
0xb: {  	[smem:$0x3FB1] =	sst s3  }
0xc: {  	[smem:$0x3FB2] =	sst s4  }
0xd: {  	[smem:$0x3FB3] =	sst s5  }
0xe: {  	[smem:$0x3FB4] =	sst s6  }
0xf: {  	[smem:$0x3FB5] =	sst s7  }
0x10: {  	[smem:$0x3FB6] =	sst s8  }
0x11: {  	[smem:$0x3FB7] =	sst s9;
	s0 =	simm.s32 @!p0 $0x0  }
0x12: {  	s1 =	sld [smem:$0x3F9D];
	s0 =	simm.s32 @p0 $0x1  }
0x13: {  	[smem:$0x3FB8] =	sst s0;
	s0 =	simm.s32 @!p1 $0x0  }
0x14: {  	s2 =	sld [smem:$0x3F9C];
	s0 =	simm.s32 @p1 $0x1  }
0x15: {  	[smem:$0x3FB9] =	sst s0;
	s0 =	simm.s32 @!p2 $0x0  }
0x16: {  	s3 =	sld [smem:$0x3FDB];
	s0 =	simm.s32 @p2 $0x1  }
0x17: {  	s4 =	simm.s32 $0x1BF5;
	[smem:$0x3FBB] =	sst s0  }
0x18: {  	s0 =	sld [smem:$0x3F9E];
	_ =	swait.ge [sflag:s4], $0x0  }
0x19: {  	s7 =	sld [smem:$0x3F9F]  }
0x1a: {  	s8 =	sadd.s32 $0xFFFFE003, lr  }
0x1b: {  	s9 =	sadd.s32 $0xFFFFFEF7, lr;
	s5 =	simm.s32 $0xFFFFFFFF;
	p2 =	slt.u32 s8, $0xFFFFF086  }
0x1c: {  	p1 =	slt.u32 s9, $0xF7A;
	s5 =	simm.s32 @!p2 $0x0  }
0x1d: {  	s5 =	simm.s32 @p1 $0x1;
	p0 =	seq.s32 s7, s2  }
0x1e: {  	s7 =	smul.u32 @!p0 $0xF7A, s2;
	p2 =	seq.s32 @!p0 s5, $0x0  }
0x1f: {  	s9 =	smul.u32 $0xF7A, s1;
	s8 =	simm.s32 @!p0 $0x1BF5;
	p2 =	por !p2, p0  }
0x20: {  	[sflag:s8] =	ssyncset.s32 @!p0 $0xFFFFF086;
	s6 =	sadd.s32 @!p0 s3, s7;
	s7 =	simm.s32 @!p0 $0x108  }
0x21: {  	s3 =	sadd.s32 s3, s9;
	s6 =	sadd.s32 @!p0 $0x88, s6;
	s7 =	simm.s32 @p2 $0x1082  }
0x22: {  	[simem:s7], [sflag:s8] =	dma.local @!p0 [hbm:s6], $0xF7A  }
0x23: {  	s9 =	sor.u32 $0xD0000000, s2;
	s6 =	simm.s32 $0x108;
	_ =	swait.ge @!p0 [sflag:s8], $0x0  }
0x24: {  	s3 =	sadd.s32 $0x88, s3;
	s6 =	simm.s32 @!p1 $0x1082;
	[sflag:s4] =	ssyncset.s32 $0xFFFFF086  }
0x25: {  	[simem:s6], [sflag:s4] =	dma.local [hbm:s3], $0xF7A  }
0x26: {  	[smem:$0x3F9F] =	sst s1;
	(tag) =	ssettag s2;
	_ =	strace s9  }
0x27: {  	s1 =	sld [smem:$0x3FAF]  }
0x28: {  	s2 =	sld [smem:$0x3FB0]  }
0x29: {  	s4 =	sld [smem:$0x3FB2]  }
0x2a: {  	p0 =	seq.s32 s5, $0x0;
	s5 =	sld [smem:$0x3FB3]  }
0x2b: {  	s6 =	sld [smem:$0x3FB4]  }
0x2c: {  	s7 =	sld [smem:$0x3FB5]  }
0x2d: {  	s3 =	simm.s32 $0x108;
	s8 =	sld [smem:$0x3FB6]  }
0x2e: {  	s3 =	simm.s32 @!p0 $0x1082;
	s9 =	sld [smem:$0x3FB7]  }
0x2f: {  	lr =	sadd.s32 s0, s3;
	s0 =	sld [smem:$0x3FAE]  }
0x30: {  	s3 =	sld [smem:$0x3FB1]  }
0x31: {  	[smem:$0x3FBA] =	sst s10  }
0x32: {  	s10 =	sld [smem:$0x3FB8];
	_ =	sdelay $0x3  }
0x33: {  	p0 =	seq.s32 s10, $0x1;
	s10 =	sld [smem:$0x3FBA];
	_ =	sdelay $0x3  }
0x34: {  	[smem:$0x3FBA] =	sst s10  }
0x35: {  	s10 =	sld [smem:$0x3FB9];
	_ =	sdelay $0x3  }
0x36: {  	p1 =	seq.s32 s10, $0x1;
	s10 =	sld [smem:$0x3FBA];
	_ =	sdelay $0x3  }
0x37: {  	[smem:$0x3FBA] =	sst s10  }
0x38: {  	s10 =	sld [smem:$0x3FBB]  }
0x39: {  	_ = 	snop;
	(pc) =	sbr.ind lr, $3  }
0x3a: {  	_ = 	snop  }
0x3b: {  	_ = 	snop  }
0x3c: {  	p2 =	seq.s32 s10, $0x1;
	s10 =	sld [smem:$0x3FBA]  }
0x3d: {  	_ =	shalt  }
0x3e: {  	_ =	shalt  }
0x3f: {  	_ =	shalt  }
0x40: {  	_ =	shalt  }
0x41: {  	_ =	shalt  }
0x42: {  	_ =	shalt  }
0x43: {  	_ =	shalt  }
0x44: {  	_ =	shalt  }
0x45: {  	_ =	shalt  }
0x46: {  	_ =	shalt  }
0x47: {  	_ =	shalt  }
0x48: {  	_ =	shalt  }
0x49: {  	_ =	shalt  }
0x4a: {  	_ =	shalt  }
0x4b: {  	_ =	shalt  }
0x4c: {  	_ =	shalt  }
0x4d: {  	_ =	shalt  }
0x4e: {  	_ =	shalt  }
0x4f: {  	_ =	shalt  }
0x50: {  	_ =	shalt  }
0x51: {  	_ =	shalt  }
0x52: {  	_ =	shalt  }
0x53: {  	_ =	shalt  }
0x54: {  	_ =	shalt  }
0x55: {  	_ =	shalt  }
0x56: {  	_ =	shalt  }
0x57: {  	_ =	shalt  }
0x58: {  	_ =	shalt  }
0x59: {  	_ =	shalt  }
0x5a: {  	_ =	shalt  }
0x5b: {  	_ =	shalt  }
0x5c: {  	_ =	shalt  }
0x5d: {  	_ =	shalt  }
0x5e: {  	_ =	shalt  }
0x5f: {  	_ =	shalt  }
0x60: {  	_ =	shalt  }
0x61: {  	_ =	shalt  }
0x62: {  	_ =	shalt  }
0x63: {  	_ =	shalt  }
0x64: {  	_ =	shalt  }
0x65: {  	_ =	shalt  }
0x66: {  	_ =	shalt  }
0x67: {  	_ =	shalt  }
0x68: {  	_ =	shalt  }
0x69: {  	_ =	shalt  }
0x6a: {  	_ =	shalt  }
0x6b: {  	_ =	shalt  }
0x6c: {  	_ =	shalt  }
0x6d: {  	_ =	shalt  }
0x6e: {  	_ =	shalt  }
0x6f: {  	_ =	shalt  }
0x70: {  	_ =	shalt  }
0x71: {  	_ =	shalt  }
0x72: {  	_ =	shalt  }
0x73: {  	_ =	shalt  }
0x74: {  	_ =	shalt  }
0x75: {  	_ =	shalt  }
0x76: {  	_ =	shalt  }
0x77: {  	_ =	shalt  }
0x78: {  	_ =	shalt  }
0x79: {  	_ =	shalt  }
0x7a: {  	_ =	shalt  }
0x7b: {  	_ =	shalt  }
0x7c: {  	_ =	shalt  }
0x7d: {  	_ =	shalt  }
0x7e: {  	_ =	shalt  }
0x7f: {  	_ =	shalt  }
0x80: {  	_ =	shalt  }
0x81: {  	_ =	shalt  }
0x82: {  	_ =	shalt  }
0x83: {  	_ =	shalt  }
0x84: {  	_ =	shalt  }
0x85: {  	_ =	shalt  }
0x86: {  	_ =	shalt  }
0x87: {  	_ =	shalt  }
.Lfunc_end0:
.L_simem_size_0:
called_computation_lowered:
.L_overlay_start_0:
0x88: {  	s2 =	sld [smem:$0x3FD9]  }
0x89: {  	s3 =	sld [smem:$0x3FFE];
	_ =	sdelay $0x1  }
0x8a: {  	s1 =	srdreg.scid  }
0x8b: {  	s0 =	sand.u32 $0x1, s1  }
0x8c: {  	s14 =	sshll.u32 s0, $0xA;
	s2 =	sadd.s32 s3, s2  }
0x8d: {  	s2 =	sadd.s32 s2, s14  }
0x8e: {  	[smem:$0x3FC6] =	sst s2  }
0x8f: {  	_ = 	snop  }
0x90: {  	s2 =	sld [smem:$0x3FD0];
	_ =	sdelay $0x2  }
0x91: {  	s15 =	simm.s32 $0xA;
	s4 =	simm.s32 $0x10  }
0x92: {  	[smem:s4], [sflag:s15] =	dma.local [hbm:s2], $0x1  }
0x93: {  	_ =	swait.eq [sflag:s15], $0x1  }
0x94: {  	[sflag:s15] =	ssyncset.done $0x0  }
0x95: {  	[sflag:s15] =	ssyncadd.s32 $0xFFFFFFFF  }
0x96: {  	s16 =	sld [smem:$0x10];
	(tm) =	ssettm $0x1  }
0x97: {  	s17 =	sld [smem:$0x3FFB];
	_ =	sdelay $0x3  }
0x98: {  	_ =	strace s17  }
0x99: {  	s3 =	sld [smem:$0x3FFC];
	_ =	sdelay $0x3  }
0x9a: {  	_ =	strace s3  }
0x9b: {  	s3 =	sld [smem:$0x3FFD];
	_ =	sdelay $0x3  }
0x9c: {  	_ =	strace s3  }
0x9d: {  	_ =	strace $0x8FFFFFFF  }
0x9e: {  	s18 =	sld [smem:$0x3FDB];
	_ =	sdelay $0x1  }
0x9f: {  	s19 =	simm.s32 $_scs_section_size  }
0xa0: {  	s5 =	simm.s32 $_size__tile_overlayer_lowered;
	s6 =	simm.s32 $_tile_overlayer_lowered  }
0xa1: {  	s22 =	simm.s32 $0x1BFF;
	s21 =	sshll.u32 s6, $0x1;
	s3 =	sadd.s32 s19, s18  }
0xa2: {  	s7 =	simm.s32 $0x0;
	s20 =	sshll.u32 s5, $0x1;
	s5 =	sadd.s32 s21, s3  }
0xa3: {  	[timem:s7], [sflag:s22] =	dma.local [hbm:s5], s20  }
0xa4: {  	_ =	swait.ge [sflag:s22], s20  }
0xa5: {  	s4 =	ssub.s32 $0x0, s20;
	[sflag:s22] =	ssyncset.done $0x0  }
0xa6: {  	[sflag:s22] =	ssyncadd.s32 s4;
	_ =	sdelay $0x1  }
0xa7: {  	s23 =	simm.s32 $0x1B8B  }
0xa8: {  	_ =	swait.ge [sflag:s23], $0x1  }
0xa9: {  	[sflag:s23] =	ssyncset.done $0x0  }
0xaa: {  	s25 =	simm.s32 $0x1B8E;
	s24 =	sld [smem:$0x3FFE];
	[sflag:s23] =	ssyncadd.s32 $0xFFFFFFFF  }
0xab: {  	s26 =	simm.s32 $execute0_lowered;
	[smem:$0x3FD2] =	sst s25  }
0xac: {  	s5 =	sshll.u32 s26, $0x1;
	_ =	strace $0x80000046;
	[dreg:$0x1] =	wrdreg $0xFFFFFFFF  }
0xad: {  	s28 =	simm.s32 $_size_execute0_lowered;
	s3 =	sadd.s32 s3, s5;
	[dreg:$0x0] =	wrdreg $0x0  }
0xae: {  	s5 =	sshll.u32 s28, $0x1;
	[dreg:$0x2] =	wrdreg s3  }
0xaf: {  	[dreg:$0x3] =	wrdreg s5  }
0xb0: {  	[dreg:$0x4] =	wrdreg $0xC0  }
0xb1: {  	_ =	task [dreg:s7], $0x5FFFF  }
0xb2: {  	[dreg:$0x1] =	wrdreg $0xFFFFFFFF  }
0xb3: {  	[dreg:$0x0] =	wrdreg $0x60  }
0xb4: {  	[dreg:$0x2] =	wrdreg s24  }
0xb5: {  	[dreg:$0x3] =	wrdreg s16  }
0xb6: {  	[dreg:$0x4] =	wrdreg $0x9  }
0xb7: {  	_ =	task.clear_ibuf [dreg:s7], $0x5FFFF;
	_ =	strace $0x90000046  }
0xb8: {  	s29 =	simm.s32 $0x9;
	_ =	strace $0x80000048  }
0xb9: {  	_ =	swait.ge [sflag:s29], $0x1  }
0xba: {  	[sflag:s29] =	ssyncadd.s32 $0xFFFFFFFF  }
0xbb: {  	_ =	strace $0x90000048  }
0xbc: {  	_ =	sfence  }
0xbd: {  	s30 =	sld [smem:$0x0];
	_ =	sdelay $0x2  }
0xbe: {  	s31 =	sshll.u32 s1, $0xD;
	s1 =	sshrl.u32 s1, $0x2  }
0xbf: {  	s3 =	sand.u32 $0x4000, s31;
	s1 =	sadd.s32 s1, s30  }
0xc0: {  	s0 =	sor.u32 s3, s0;
	s1 =	sshll.u32 s1, $0x11  }
0xc1: {  	s0 =	sor.u32 s1, s0  }
0xc2: {  	s0 =	sadd.s32 $0x8F2B, s0  }
0xc3: {  	[sflag:s0] =	ssyncadd.remote.s32 $0x1  }
0xc4: {  	_ =	sfence.sel $0xFFFF  }
0xc5: {  	[dreg:$0x0] =	wrdreg $0xFFFFFFFF;
	(pc) =	sbr.abs _section_cstart, $3  }
0xc6: {  	[dreg:$0x1] =	wrdreg $0xFFFFFFFF  }
0xc7: {  	_ =	task.clear_ibuf [dreg:s7], $0x2FFFF;
	_ =	strace $0x9FFFFFFF  }
0xc8: {  	(tm) =	ssettm $0x7FFFFFFF  }
0xc9: {  	_ =	shalt  }
tec
execute0_lowered:
.L_overlay_start_1:
0x0: {  	(tag) =	ssettag $0x1  }
0x1: {  	s1 =	srdreg.scid;
	s0 =	stileid.u32  }
0x2: {  	s12 =	sand.u32 $0x1, s1;
	s30 =	sshll.u32 s0, $0x1  }
0x3: {  	s2 =	rddreg [dreg:$0x0];
	s13 =	sor.u32 s12, s30  }
0x4: {  	s14 =	rddreg [dreg:$0x1];
	s4 =	smul.u32 $0x24, s13  }
0x5: {  	s3 =	simm.s32 $0x0;
	s1 =	rddreg [dreg:$0x2]  }
0x6: {  	[smem:$0x7FF] =	sst s3;
	s4 =	sadd.s32 s4, s2  }
0x7: {  	_ =	strace $0x80000047;
	s5 =	sadd.s32 $0x2000, s4;
	s4 =	simm.s32 $0x2  }
0x8: {  	[tilespmem:s3], [sflag:$0x2] =	stream.linear.gather [hbm4b:s5+s3], $0x120, $0x38;
	[tilespmem:$0x4920] =	vst v63  }
0x9: {  	_ =	swait.ge [sflag:s4], $0x120  }
0xa: {  	[sflag:s4] =	ssyncset.done $0x0  }
0xb: {  	s6 =	simm.s32 $0x60;
	s7 =	simm.s32 $0x120;
	[sflag:s4] =	ssyncadd.s32 $0xFFFFFEE0  }
0xc: {  	[tilespmem:s7], [sflag:$0x1] =	stream.indirect.gather [hbm4b:s2+s6], $0x40, s3, s6, $0xb8;
	[tilespmem:$0x4920] =	vst v63  }
0xd: {  	s8 =	simm.s32 $0x1920  }
0xe: {  	[tilespmem:s8], [sflag:$0x1] =	stream.indirect.gather [hbm4b:s2+s6], $0x40, s6, s6, $0xb8;
	[tilespmem:$0x4920] =	vst v63  }
0xf: {  	s9 =	simm.s32 $0xC0;
	s10 =	simm.s32 $0x3120;
	s11 =	simm.s32 $0x1  }
0x10: {  	[tilespmem:s10], [sflag:$0x1] =	stream.indirect.gather [hbm4b:s2+s6], $0x40, s9, s6, $0xb8;
	[tilespmem:$0x4920] =	vst v63  }
0x11: {  	_ =	swait.ge [sflag:s11], $0x1800  }
0x12: {  	[sflag:s11] =	ssyncset.done $0x0  }
0x13: {  	s12 =	ssub.s32 $0x2, s12;
	[sflag:s11] =	ssyncadd.s32 $0xFFFFE800  }
0x14: {  	s15 =	sshrl.u32 s12, $0x1;
	_ =	swait.ge [sflag:s11], $0x1800  }
0x15: {  	s15 =	ssub.s32 s12, s15;
	[sflag:s11] =	ssyncset.done $0x0  }
0x16: {  	s31 =	smax.u32 s15, $0x1;
	[sflag:s11] =	ssyncadd.s32 $0xFFFFE800  }
0x17: {  	s13 =	smul.u32 $0x900, s13;
	p0 =	sne.s32 s31, $0x1;
	_ =	swait.ge [sflag:s11], $0x1800  }
.Ltmp0:
0x18: {  	[sflag:s11] =	ssyncset.done $0x0;
	(pc) =	sbr.rel @!p0 .LBB2_2-.Ltmp0, $4  }
0x19: {  	s12 =	sadd.s32 s14, s13;
	[sflag:s11] =	ssyncadd.s32 $0xFFFFE800  }
0x1a: {  	[hbm4b:s12+s3] =	stream.linear.scatter [tilespmem:s7], [sflag:$0x2], $0x4800, $0x38;
	[tilespmem:$0x4920] =	vst v63  }
0x1b: {  	_ =	swait.ge [sflag:s4], $0x4800  }
0x1c: {  	s13 =	sadd.s32 $0xFFFFFFFF, s31;
	[sflag:s4] =	ssyncset.done $0x0  }
.LBB2_1:
0x1d: {  	p0 =	sne.s32 s13, $0x1;
	s13 =	sadd.s32 $0xFFFFFFFF, s13;
	[sflag:s4] =	ssyncadd.s32 $0xFFFFB800  }
0x1e: {  	[tilespmem:s3], [sflag:$0x2] =	stream.linear.gather [hbm4b:s5+s3], $0x120, $0x38;
	[tilespmem:$0x4920] =	vst v63  }
0x1f: {  	_ =	swait.ge [sflag:s4], $0x120  }
0x20: {  	[sflag:s4] =	ssyncset.done $0x0  }
0x21: {  	[sflag:s4] =	ssyncadd.s32 $0xFFFFFEE0  }
0x22: {  	[tilespmem:s7], [sflag:$0x1] =	stream.indirect.gather [hbm4b:s2+s6], $0x40, s3, s6, $0xb8;
	[tilespmem:$0x4920] =	vst v63  }
0x23: {  	_ = 	snop  }
0x24: {  	[tilespmem:s8], [sflag:$0x1] =	stream.indirect.gather [hbm4b:s2+s6], $0x40, s6, s6, $0xb8;
	[tilespmem:$0x4920] =	vst v63  }
0x25: {  	_ = 	snop  }
0x26: {  	[tilespmem:s10], [sflag:$0x1] =	stream.indirect.gather [hbm4b:s2+s6], $0x40, s9, s6, $0xb8;
	[tilespmem:$0x4920] =	vst v63  }
0x27: {  	_ =	swait.ge [sflag:s11], $0x1800  }
0x28: {  	[sflag:s11] =	ssyncset.done $0x0  }
0x29: {  	[sflag:s11] =	ssyncadd.s32 $0xFFFFE800  }
0x2a: {  	_ =	swait.ge [sflag:s11], $0x1800  }
0x2b: {  	[sflag:s11] =	ssyncset.done $0x0  }
0x2c: {  	[sflag:s11] =	ssyncadd.s32 $0xFFFFE800  }
0x2d: {  	_ =	swait.ge [sflag:s11], $0x1800  }
.Ltmp1:
0x2e: {  	[sflag:s11] =	ssyncset.done $0x0;
	(pc) =	sbr.rel @p0 .LBB2_1-.Ltmp1, $4  }
0x2f: {  	[sflag:s11] =	ssyncadd.s32 $0xFFFFE800  }
0x30: {  	[hbm4b:s12+s3] =	stream.linear.scatter [tilespmem:s7], [sflag:$0x2], $0x4800, $0x38;
	[tilespmem:$0x4920] =	vst v63  }
0x31: {  	_ =	swait.ge [sflag:s4], $0x4800  }
0x32: {  	[sflag:s4] =	ssyncset.done $0x0  }
.LBB2_2:
0x33: {  	[sflag:s4] =	ssyncadd.s32 $0xFFFFB800  }
0x34: {  	_ =	sfence.sel $0x180000  }
0x35: {  	[bflag:$0x0] =	sbarrier.arrive $0xFFFF  }
0x36: {  	p0 =	sne.s32 s0, $0x0;
	_ =	strace $0x90000047  }
0x37: {  	s0 =	sadd.s32 @!p0 $0x100000, s1;
	[bflag:$0x2] =	sbarrier.arrive $0xFFFF  }
0x38: {  	[sflag:s0] =	ssyncadd.tile.s32 @!p0 $0x1;
	_ =	shalt  }
.Lfunc_end2:
_tile_overlayer_lowered:
.L_overlay_start_2:
0x39: {  	(tag) =	ssettag $0x2  }
0x3a: {  	s0 =	rddreg [dreg:$0x0];
	s2 =	stileid.u32  }
0x3b: {  	s1 =	rddreg [dreg:$0x1];
	p0 =	sne.s32 s2, $0x0  }
0x3c: {  	s3 =	rddreg [dreg:$0x2];
	[bflag:$0x3] =	sbarrier.arrive $0xFFFF;
	s2 =	simm.s32 @!p0 $0x1C02  }
0x3d: {  	[timem:s3], [sflag:s2] =	dma.local @!p0 [hbm:s0], s1  }
0x3e: {  	s0 =	simm.s32 @!p0 $0x2  }
0x3f: {  	_ =	swait.ge @!p0 [sflag:s0], s1  }
0x40: {  	s1 =	ssub.s32 @!p0 $0x0, s1;
	[sflag:s0] =	ssyncset.done @!p0 $0x0  }
0x41: {  	[sflag:s0] =	ssyncadd.s32 @!p0 s1  }
0x42: {  	[bflag:$0x3] =	sbarrier.arrive $0xFFFF  }
0x43: {  	_ =	shalt  }

</sc_bundles>
